<compile_context>
chip_gen: v7x
topology: tpu7x:2x2x1
jax: 0.10.2.dev20260603
libtpu: 0.0.44.dev20260713+nightly
codegen_flags: <defaults>
</compile_context>

<pallas_src>
import functools

import jax
import jax.numpy as jnp
from jax import lax
from jax.experimental import pallas as pl
from jax.experimental.pallas import tpu as pltpu
from jax.experimental.pallas import tpu_sc as plsc

NUM_FIELDS = 23
VOCAB = 100000
EMBED_DIM = 64
BATCH = 4096

NC = 2
NS = 16
NW = NC * NS
NPLANES = NUM_FIELDS * EMBED_DIM
PPW = NPLANES // NW
VEC = 16


def _sc_gather_planes(inputs_t, tables_t):
    mesh = plsc.VectorSubcoreMesh(core_axis_name="c", subcore_axis_name="s")

    @functools.partial(
        pl.kernel,
        mesh=mesh,
        out_type=jax.ShapeDtypeStruct((NPLANES, BATCH), jnp.float32),
        compiler_params=pltpu.CompilerParams(needs_layout_passes=False),
        scratch_types=[
            pltpu.VMEM((2, BATCH), jnp.int32),
            pltpu.VMEM((VOCAB,), jnp.float32),
            pltpu.VMEM((BATCH,), jnp.float32),
        ],
    )
    def k(idx_hbm, tab_hbm, out_hbm, idx_v, plane_v, row_v):
        wid = lax.axis_index("s") * NC + lax.axis_index("c")
        p0 = wid * PPW
        f0 = p0 // EMBED_DIM
        f1 = jnp.minimum(f0 + 1, NUM_FIELDS - 1)
        pltpu.sync_copy(idx_hbm.at[pl.ds(f0, 1)], idx_v.at[pl.ds(0, 1)])
        pltpu.sync_copy(idx_hbm.at[pl.ds(f1, 1)], idx_v.at[pl.ds(1, 1)])
        iota = lax.iota(jnp.int32, VEC)
        zeros16 = jnp.zeros((VEC,), jnp.int32)

        @pl.loop(0, PPW)
        def _(j):
            p = p0 + j
            f = p // EMBED_DIM
            d = lax.rem(p, EMBED_DIM)
            frvec = zeros16 + (f - f0)
            pltpu.sync_copy(tab_hbm.at[f, d], plane_v)

            @pl.loop(0, BATCH, step=2 * VEC)
            def _(c):
                for u in range(2):
                    cc = c + u * VEC
                    idx = plsc.load_gather(idx_v, [frvec, iota + cc])
                    row_v.at[pl.ds(cc, VEC)][...] = plsc.load_gather(
                        plane_v, [idx])

            pltpu.sync_copy(row_v, out_hbm.at[p])

    return k(inputs_t, tables_t)


def kernel(inputs, tables):
    inputs_t = inputs.T
    tables_t = jnp.transpose(tables, (0, 2, 1))
    out_t = _sc_gather_planes(inputs_t, tables_t)
    return out_t.T

# --- scband reference (transcript-rebuilt; emitter-appended) ---
"""Pipeline reference for scband-embedding-layer-4741643895227 (READ-ONLY COPY).

The authoritative reference and input builder live on the scoring server;
editing this copy changes nothing except your own understanding.
"""

import jax, jax.numpy as jnp
import numpy as np

NUM_FIELDS = 23
VOCAB = 100000
EMBED_DIM = 64  # min(ceil(128/2), 64) = 64 for all fields
BATCH = 4096


def setup_inputs(seed: int = 0) -> dict:
    key = jax.random.key(seed)
    k1, k2 = jax.random.split(key)
    inputs = jax.random.randint(k1, (BATCH, NUM_FIELDS), 0, VOCAB, dtype=jnp.int32)
    # 23 embedding tables, all with embed_dim 64 (since min(ceil(128/2), 64) == 64),
    # stacked into one [23, 100000, 64] tensor.
    tables = jax.random.normal(k2, (NUM_FIELDS, VOCAB, EMBED_DIM), dtype=jnp.float32) * 0.02
    return {"inputs": inputs, "tables": tables}


def reference(inputs, tables):
    # torch: emb = [emb_i(inputs[:, i]) for i ...]; out = cat(emb, dim=1)
    # per-field gather: emb[i] = tables[i][inputs[:, i]]  -> [NUM_FIELDS, B, EMBED_DIM]
    emb = jax.vmap(lambda t, idx: jnp.take(t, idx, axis=0), in_axes=(0, 1))(tables, inputs)
    # concat along feature dim, matching torch.cat([e0, e1, ...], dim=1)
    out = jnp.transpose(emb, (1, 0, 2)).reshape(inputs.shape[0], NUM_FIELDS * EMBED_DIM)
    return out

if __name__ == "__main__":
    import jax
    _d = setup_inputs()
    print(jax.jit(kernel)(*tuple(_d.values())))

</pallas_src>

<mosaic_0001>
#map = affine_map<(d0, d1) -> (0, 0)>
#map1 = affine_map<(d0, d1) -> (0, 0, 0)>
module attributes {stable_mosaic.version = 14 : i64} {
  func.func @k(%arg0: i32, %arg1: i32, %arg2: memref<23x4096xi32, #tpu.memory_space<hbm>>, %arg3: memref<23x64x100000xf32, #tpu.memory_space<hbm>>, %arg4: memref<1472x4096xf32, #tpu.memory_space<hbm>>, %arg5: memref<2x4096xi32, #tpu.memory_space<vmem>>, %arg6: memref<100000xf32, #tpu.memory_space<vmem>>, %arg7: memref<4096xf32, #tpu.memory_space<vmem>>) attributes {dimension_semantics = [#tpu.dimension_semantics<core_parallel>, #tpu.dimension_semantics<subcore_parallel>], iteration_bounds = array<i64: 2, 16>, scalar_prefetch = 0 : i64, scratch_operands = 3 : i64, tpu.core_type = #tpu.core_type<sc_vector_subcore>, window_params = [{transform_indices = #map}, {transform_indices = #map1}, {transform_indices = #map}]} {
    %mul3A = arith.constant 2 : i32
    %mul3A_0 = arith.muli %arg1, %mul3A : i32
    %add3A = arith.addi %mul3A_0, %arg0 : i32
    %mul3A_1 = arith.constant 46 : i32
    %mul3A_2 = arith.muli %add3A, %mul3A_1 : i32
    %jit3A = arith.constant 64 : i32
    %div3A = arith.divsi %mul3A_2, %jit3A : i32
    %sign3A = arith.constant 0 : i32
    %sign3A_3 = arith.cmpi sgt, %mul3A_2, %sign3A : i32
    %sign3A_4 = arith.extui %sign3A_3 : i1 to i32
    %sign3A_5 = arith.constant 0 : i32
    %sign3A_6 = arith.cmpi slt, %mul3A_2, %sign3A_5 : i32
    %sign3A_7 = arith.extui %sign3A_6 : i1 to i32
    %sign3A_8 = arith.subi %sign3A_4, %sign3A_7 : i32
    %sign3A_9 = arith.constant 0 : i32
    %sign3A_10 = arith.cmpi sgt, %jit3A, %sign3A_9 : i32
    %sign3A_11 = arith.extui %sign3A_10 : i1 to i32
    %sign3A_12 = arith.constant 0 : i32
    %sign3A_13 = arith.cmpi slt, %jit3A, %sign3A_12 : i32
    %sign3A_14 = arith.extui %sign3A_13 : i1 to i32
    %sign3A_15 = arith.subi %sign3A_11, %sign3A_14 : i32
    %ne3A = arith.cmpi ne, %sign3A_8, %sign3A_15 : i32
    %rem3A = arith.remsi %mul3A_2, %jit3A : i32
    %ne3A_16 = arith.constant 0 : i32
    %ne3A_17 = arith.cmpi ne, %rem3A, %ne3A_16 : i32
    %and3A = arith.andi %ne3A, %ne3A_17 : i1
    %sub3A = arith.constant 1 : i32
    %sub3A_18 = arith.subi %div3A, %sub3A : i32
    %select_n3A = arith.select %and3A, %sub3A_18, %div3A : i32
    %add3A_19 = arith.constant 1 : i32
    %add3A_20 = arith.addi %select_n3A, %add3A_19 : i32
    %min3A = arith.constant 22 : i32
    %min3A_21 = arith.minsi %add3A_20, %min3A : i32
    "tpu.region"() ({
      %run_scoped3A = tpu.sem_alloc : memref<!tpu.dma_semaphore, #tpu.memory_space<semaphore_mem>>
      %dma_start3A = arith.constant 0 : i32
      %dma_start3A_27 = arith.constant 0 : i32
      %dma_start3A_28 = tpu.memref_slice %arg5[%dma_start3A, %dma_start3A_27] : memref<2x4096xi32, #tpu.memory_space<vmem>> -> memref<1x4096xi32, #tpu.memory_space<vmem>>
      %dma_start3A_29 = arith.constant 0 : i32
      %dma_start3A_30 = tpu.memref_slice %arg2[%select_n3A, %dma_start3A_29] : memref<23x4096xi32, #tpu.memory_space<hbm>> -> memref<1x4096xi32, #tpu.memory_space<hbm>>
      %dma_start3A_31 = arith.constant 0 : i32
      %dma_start3A_32 = arith.constant 0 : i32
      %dma_start3A_33 = tpu.memref_slice %arg5[%dma_start3A_31, %dma_start3A_32] : memref<2x4096xi32, #tpu.memory_space<vmem>> -> memref<1x4096xi32, #tpu.memory_space<vmem>>
      %dma_start3A_34 = arith.constant 0 : i32
      %dma_start3A_35 = tpu.memref_slice %arg2[%select_n3A, %dma_start3A_34] : memref<23x4096xi32, #tpu.memory_space<hbm>> -> memref<1x4096xi32, #tpu.memory_space<hbm>>
      tpu.enqueue_dma source(%dma_start3A_35 : memref<1x4096xi32, #tpu.memory_space<hbm>>) target(%dma_start3A_33 : memref<1x4096xi32, #tpu.memory_space<vmem>>) target_semaphore(%run_scoped3A : memref<!tpu.dma_semaphore, #tpu.memory_space<semaphore_mem>>)
      %dma_wait3A = arith.constant 0 : i32
      %dma_wait3A_36 = arith.constant 0 : i32
      %dma_wait3A_37 = tpu.memref_slice %arg5[%dma_wait3A, %dma_wait3A_36] : memref<2x4096xi32, #tpu.memory_space<vmem>> -> memref<1x4096xi32, #tpu.memory_space<vmem>>
      %dma_wait3A_38 = arith.constant 0 : i32
      %dma_wait3A_39 = tpu.memref_slice %arg2[%select_n3A, %dma_wait3A_38] : memref<23x4096xi32, #tpu.memory_space<hbm>> -> memref<1x4096xi32, #tpu.memory_space<hbm>>
      %dma_wait3A_40 = arith.constant 0 : i32
      %dma_wait3A_41 = arith.constant 0 : i32
      %dma_wait3A_42 = tpu.memref_slice %arg5[%dma_wait3A_40, %dma_wait3A_41] : memref<2x4096xi32, #tpu.memory_space<vmem>> -> memref<1x4096xi32, #tpu.memory_space<vmem>>
      %dma_wait3A_43 = arith.constant 0 : i32
      %dma_wait3A_44 = tpu.memref_slice %arg2[%select_n3A, %dma_wait3A_43] : memref<23x4096xi32, #tpu.memory_space<hbm>> -> memref<1x4096xi32, #tpu.memory_space<hbm>>
      tpu.wait_dma2 semaphore(%run_scoped3A : memref<!tpu.dma_semaphore, #tpu.memory_space<semaphore_mem>>) src(%dma_wait3A_44 : memref<1x4096xi32, #tpu.memory_space<hbm>>) dst(%dma_wait3A_42 : memref<1x4096xi32, #tpu.memory_space<vmem>>)
      tpu.yield
    }) : () -> ()
    "tpu.region"() ({
      %run_scoped3A = tpu.sem_alloc : memref<!tpu.dma_semaphore, #tpu.memory_space<semaphore_mem>>
      %dma_start3A = arith.constant 1 : i32
      %dma_start3A_27 = arith.constant 0 : i32
      %dma_start3A_28 = tpu.memref_slice %arg5[%dma_start3A, %dma_start3A_27] : memref<2x4096xi32, #tpu.memory_space<vmem>> -> memref<1x4096xi32, #tpu.memory_space<vmem>>
      %dma_start3A_29 = arith.constant 0 : i32
      %dma_start3A_30 = tpu.memref_slice %arg2[%min3A_21, %dma_start3A_29] : memref<23x4096xi32, #tpu.memory_space<hbm>> -> memref<1x4096xi32, #tpu.memory_space<hbm>>
      %dma_start3A_31 = arith.constant 1 : i32
      %dma_start3A_32 = arith.constant 0 : i32
      %dma_start3A_33 = tpu.memref_slice %arg5[%dma_start3A_31, %dma_start3A_32] : memref<2x4096xi32, #tpu.memory_space<vmem>> -> memref<1x4096xi32, #tpu.memory_space<vmem>>
      %dma_start3A_34 = arith.constant 0 : i32
      %dma_start3A_35 = tpu.memref_slice %arg2[%min3A_21, %dma_start3A_34] : memref<23x4096xi32, #tpu.memory_space<hbm>> -> memref<1x4096xi32, #tpu.memory_space<hbm>>
      tpu.enqueue_dma source(%dma_start3A_35 : memref<1x4096xi32, #tpu.memory_space<hbm>>) target(%dma_start3A_33 : memref<1x4096xi32, #tpu.memory_space<vmem>>) target_semaphore(%run_scoped3A : memref<!tpu.dma_semaphore, #tpu.memory_space<semaphore_mem>>)
      %dma_wait3A = arith.constant 1 : i32
      %dma_wait3A_36 = arith.constant 0 : i32
      %dma_wait3A_37 = tpu.memref_slice %arg5[%dma_wait3A, %dma_wait3A_36] : memref<2x4096xi32, #tpu.memory_space<vmem>> -> memref<1x4096xi32, #tpu.memory_space<vmem>>
      %dma_wait3A_38 = arith.constant 0 : i32
      %dma_wait3A_39 = tpu.memref_slice %arg2[%min3A_21, %dma_wait3A_38] : memref<23x4096xi32, #tpu.memory_space<hbm>> -> memref<1x4096xi32, #tpu.memory_space<hbm>>
      %dma_wait3A_40 = arith.constant 1 : i32
      %dma_wait3A_41 = arith.constant 0 : i32
      %dma_wait3A_42 = tpu.memref_slice %arg5[%dma_wait3A_40, %dma_wait3A_41] : memref<2x4096xi32, #tpu.memory_space<vmem>> -> memref<1x4096xi32, #tpu.memory_space<vmem>>
      %dma_wait3A_43 = arith.constant 0 : i32
      %dma_wait3A_44 = tpu.memref_slice %arg2[%min3A_21, %dma_wait3A_43] : memref<23x4096xi32, #tpu.memory_space<hbm>> -> memref<1x4096xi32, #tpu.memory_space<hbm>>
      tpu.wait_dma2 semaphore(%run_scoped3A : memref<!tpu.dma_semaphore, #tpu.memory_space<semaphore_mem>>) src(%dma_wait3A_44 : memref<1x4096xi32, #tpu.memory_space<hbm>>) dst(%dma_wait3A_42 : memref<1x4096xi32, #tpu.memory_space<vmem>>)
      tpu.yield
    }) : () -> ()
    %iota3A = tpu.iota {dimensions = array<i32: 0>} : vector<16xi32>
    %broadcast_in_dim3A = arith.constant 0 : i32
    %broadcast_in_dim3A_22 = vector.broadcast %broadcast_in_dim3A : i32 to vector<16xi32>
    %scan3A = arith.constant 0 : i32
    %scan3A_23 = arith.constant 46 : i32
    %scan3A_24 = arith.addi %scan3A, %scan3A_23 : i32
    %scan3A_25 = arith.constant 1 : i32
    scf.for %scan3A_27 = %scan3A to %scan3A_24 step %scan3A_25  : i32 {
      %mul3A_28 = arith.constant 1 : i32
      %mul3A_29 = arith.muli %scan3A_27, %mul3A_28 : i32
      %add3A_30 = arith.constant 0 : i32
      %add3A_31 = arith.addi %add3A_30, %mul3A_29 : i32
      %add3A_32 = arith.addi %mul3A_2, %add3A_31 : i32
      %jit3A_33 = arith.constant 64 : i32
      %div3A_34 = arith.divsi %add3A_32, %jit3A_33 : i32
      %sign3A_35 = arith.constant 0 : i32
      %sign3A_36 = arith.cmpi sgt, %add3A_32, %sign3A_35 : i32
      %sign3A_37 = arith.extui %sign3A_36 : i1 to i32
      %sign3A_38 = arith.constant 0 : i32
      %sign3A_39 = arith.cmpi slt, %add3A_32, %sign3A_38 : i32
      %sign3A_40 = arith.extui %sign3A_39 : i1 to i32
      %sign3A_41 = arith.subi %sign3A_37, %sign3A_40 : i32
      %sign3A_42 = arith.constant 0 : i32
      %sign3A_43 = arith.cmpi sgt, %jit3A_33, %sign3A_42 : i32
      %sign3A_44 = arith.extui %sign3A_43 : i1 to i32
      %sign3A_45 = arith.constant 0 : i32
      %sign3A_46 = arith.cmpi slt, %jit3A_33, %sign3A_45 : i32
      %sign3A_47 = arith.extui %sign3A_46 : i1 to i32
      %sign3A_48 = arith.subi %sign3A_44, %sign3A_47 : i32
      %ne3A_49 = arith.cmpi ne, %sign3A_41, %sign3A_48 : i32
      %rem3A_50 = arith.remsi %add3A_32, %jit3A_33 : i32
      %ne3A_51 = arith.constant 0 : i32
      %ne3A_52 = arith.cmpi ne, %rem3A_50, %ne3A_51 : i32
      %and3A_53 = arith.andi %ne3A_49, %ne3A_52 : i1
      %sub3A_54 = arith.constant 1 : i32
      %sub3A_55 = arith.subi %div3A_34, %sub3A_54 : i32
      %select_n3A_56 = arith.select %and3A_53, %sub3A_55, %div3A_34 : i32
      %rem3A_57 = arith.constant 64 : i32
      %rem3A_58 = arith.remsi %add3A_32, %rem3A_57 : i32
      %sub3A_59 = arith.subi %select_n3A_56, %select_n3A : i32
      %add3A_60 = vector.broadcast %sub3A_59 : i32 to vector<16xi32>
      %add3A_61 = arith.addi %broadcast_in_dim3A_22, %add3A_60 : vector<16xi32>
      "tpu.region"() ({
        %run_scoped3A = tpu.sem_alloc : memref<!tpu.dma_semaphore, #tpu.memory_space<semaphore_mem>>
        %dma_start3A = arith.constant 0 : i32
        %dma_start3A_67 = tpu.memref_slice %arg3[%select_n3A_56, %rem3A_58, %dma_start3A] : memref<23x64x100000xf32, #tpu.memory_space<hbm>> -> memref<1x1x100000xf32, #tpu.memory_space<hbm>>
        %dma_start3A_68 = tpu.memref_squeeze %dma_start3A_67 : memref<1x1x100000xf32, #tpu.memory_space<hbm>> -> memref<100000xf32, #tpu.memory_space<hbm>>
        %dma_start3A_69 = arith.constant 0 : i32
        %dma_start3A_70 = tpu.memref_slice %arg3[%select_n3A_56, %rem3A_58, %dma_start3A_69] : memref<23x64x100000xf32, #tpu.memory_space<hbm>> -> memref<1x1x100000xf32, #tpu.memory_space<hbm>>
        %dma_start3A_71 = tpu.memref_squeeze %dma_start3A_70 : memref<1x1x100000xf32, #tpu.memory_space<hbm>> -> memref<100000xf32, #tpu.memory_space<hbm>>
        tpu.enqueue_dma source(%dma_start3A_71 : memref<100000xf32, #tpu.memory_space<hbm>>) target(%arg6 : memref<100000xf32, #tpu.memory_space<vmem>>) target_semaphore(%run_scoped3A : memref<!tpu.dma_semaphore, #tpu.memory_space<semaphore_mem>>)
        %dma_wait3A = arith.constant 0 : i32
        %dma_wait3A_72 = tpu.memref_slice %arg3[%select_n3A_56, %rem3A_58, %dma_wait3A] : memref<23x64x100000xf32, #tpu.memory_space<hbm>> -> memref<1x1x100000xf32, #tpu.memory_space<hbm>>
        %dma_wait3A_73 = tpu.memref_squeeze %dma_wait3A_72 : memref<1x1x100000xf32, #tpu.memory_space<hbm>> -> memref<100000xf32, #tpu.memory_space<hbm>>
        %dma_wait3A_74 = arith.constant 0 : i32
        %dma_wait3A_75 = tpu.memref_slice %arg3[%select_n3A_56, %rem3A_58, %dma_wait3A_74] : memref<23x64x100000xf32, #tpu.memory_space<hbm>> -> memref<1x1x100000xf32, #tpu.memory_space<hbm>>
        %dma_wait3A_76 = tpu.memref_squeeze %dma_wait3A_75 : memref<1x1x100000xf32, #tpu.memory_space<hbm>> -> memref<100000xf32, #tpu.memory_space<hbm>>
        tpu.wait_dma2 semaphore(%run_scoped3A : memref<!tpu.dma_semaphore, #tpu.memory_space<semaphore_mem>>) src(%dma_wait3A_76 : memref<100000xf32, #tpu.memory_space<hbm>>) dst(%arg6 : memref<100000xf32, #tpu.memory_space<vmem>>)
        tpu.yield
      }) : () -> ()
      %scan3A_62 = arith.constant 0 : i32
      %scan3A_63 = arith.constant 128 : i32
      %scan3A_64 = arith.addi %scan3A_62, %scan3A_63 : i32
      %scan3A_65 = arith.constant 1 : i32
      scf.for %scan3A_67 = %scan3A_62 to %scan3A_64 step %scan3A_65  : i32 {
        %mul3A_68 = arith.constant 32 : i32
        %mul3A_69 = arith.muli %scan3A_67, %mul3A_68 : i32
        %add3A_70 = arith.constant 0 : i32
        %add3A_71 = arith.addi %add3A_70, %mul3A_69 : i32
        %add3A_72 = arith.constant 0 : i32
        %add3A_73 = arith.addi %add3A_71, %add3A_72 : i32
        %add3A_74 = vector.broadcast %add3A_73 : i32 to vector<16xi32>
        %add3A_75 = arith.addi %iota3A, %add3A_74 : vector<16xi32>
        %gather3A = tpu.vector_load_idx %arg5[%add3A_61, %add3A_75] : memref<2x4096xi32, #tpu.memory_space<vmem>>[vector<16xi32>, vector<16xi32>], vector<16xi32>,
        %gather3A_76 = tpu.vector_load_idx %arg6[%gather3A] : memref<100000xf32, #tpu.memory_space<vmem>>[vector<16xi32>], vector<16xf32>,
        %swap3A = arith.index_cast %add3A_73 : i32 to index
        %swap3A_77 = tpu.vector_load %arg7[%swap3A] {strides = array<i32>} : memref<4096xf32, #tpu.memory_space<vmem>>, vector<16xf32>,
        tpu.vector_store %arg7[%swap3A], %gather3A_76 {strides = array<i32>} : memref<4096xf32, #tpu.memory_space<vmem>>, vector<16xf32>,
        %add3A_78 = arith.constant 16 : i32
        %add3A_79 = arith.addi %add3A_71, %add3A_78 : i32
        %add3A_80 = vector.broadcast %add3A_79 : i32 to vector<16xi32>
        %add3A_81 = arith.addi %iota3A, %add3A_80 : vector<16xi32>
        %gather3A_82 = tpu.vector_load_idx %arg5[%add3A_61, %add3A_81] : memref<2x4096xi32, #tpu.memory_space<vmem>>[vector<16xi32>, vector<16xi32>], vector<16xi32>,
        %gather3A_83 = tpu.vector_load_idx %arg6[%gather3A_82] : memref<100000xf32, #tpu.memory_space<vmem>>[vector<16xi32>], vector<16xf32>,
        %swap3A_84 = arith.index_cast %add3A_79 : i32 to index
        %swap3A_85 = tpu.vector_load %arg7[%swap3A_84] {strides = array<i32>} : memref<4096xf32, #tpu.memory_space<vmem>>, vector<16xf32>,
        tpu.vector_store %arg7[%swap3A_84], %gather3A_83 {strides = array<i32>} : memref<4096xf32, #tpu.memory_space<vmem>>, vector<16xf32>,
      }
      %scan3A_66 = arith.constant 128 : i32
      "tpu.region"() ({
        %run_scoped3A = tpu.sem_alloc : memref<!tpu.dma_semaphore, #tpu.memory_space<semaphore_mem>>
        %dma_start3A = arith.constant 0 : i32
        %dma_start3A_67 = tpu.memref_slice %arg4[%add3A_32, %dma_start3A] : memref<1472x4096xf32, #tpu.memory_space<hbm>> -> memref<1x4096xf32, #tpu.memory_space<hbm>>
        %dma_start3A_68 = tpu.memref_squeeze %dma_start3A_67 : memref<1x4096xf32, #tpu.memory_space<hbm>> -> memref<4096xf32, #tpu.memory_space<hbm>>
        %dma_start3A_69 = arith.constant 0 : i32
        %dma_start3A_70 = tpu.memref_slice %arg4[%add3A_32, %dma_start3A_69] : memref<1472x4096xf32, #tpu.memory_space<hbm>> -> memref<1x4096xf32, #tpu.memory_space<hbm>>
        %dma_start3A_71 = tpu.memref_squeeze %dma_start3A_70 : memref<1x4096xf32, #tpu.memory_space<hbm>> -> memref<4096xf32, #tpu.memory_space<hbm>>
        tpu.enqueue_dma source(%arg7 : memref<4096xf32, #tpu.memory_space<vmem>>) target(%dma_start3A_71 : memref<4096xf32, #tpu.memory_space<hbm>>) target_semaphore(%run_scoped3A : memref<!tpu.dma_semaphore, #tpu.memory_space<semaphore_mem>>)
        %dma_wait3A = arith.constant 0 : i32
        %dma_wait3A_72 = tpu.memref_slice %arg4[%add3A_32, %dma_wait3A] : memref<1472x4096xf32, #tpu.memory_space<hbm>> -> memref<1x4096xf32, #tpu.memory_space<hbm>>
        %dma_wait3A_73 = tpu.memref_squeeze %dma_wait3A_72 : memref<1x4096xf32, #tpu.memory_space<hbm>> -> memref<4096xf32, #tpu.memory_space<hbm>>
        %dma_wait3A_74 = arith.constant 0 : i32
        %dma_wait3A_75 = tpu.memref_slice %arg4[%add3A_32, %dma_wait3A_74] : memref<1472x4096xf32, #tpu.memory_space<hbm>> -> memref<1x4096xf32, #tpu.memory_space<hbm>>
        %dma_wait3A_76 = tpu.memref_squeeze %dma_wait3A_75 : memref<1x4096xf32, #tpu.memory_space<hbm>> -> memref<4096xf32, #tpu.memory_space<hbm>>
        tpu.wait_dma2 semaphore(%run_scoped3A : memref<!tpu.dma_semaphore, #tpu.memory_space<semaphore_mem>>) src(%arg7 : memref<4096xf32, #tpu.memory_space<vmem>>) dst(%dma_wait3A_76 : memref<4096xf32, #tpu.memory_space<hbm>>)
        tpu.yield
      }) : () -> ()
    }
    %scan3A_26 = arith.constant 46 : i32
    return
  }
}

</mosaic_0001>

<sc_bundles>
// kernel: kernel.3.cloned.1.call-start
scs
__scs_entry_jumppad:
0x0: {  	(pc) =	sbr.rel $0x88, $3  }
0x1: {  	(tag) =	ssettag $0x0;
	lr =	simm.s32 $0x1  }
0x2: {  	[smem:$0x3F9F] =	sst lr;
	_ =	strace $0xD0000000  }
0x3: {  	_ = 	snop  }
0x4: {  	_ = 	snop  }
0x5: {  	_ = 	snop  }
0x6: {  	_ = 	snop  }
0x7: {  	_ = 	snop  }
__scs_overlays_trampoline_lowered:
0x8: {  	[smem:$0x3FAE] =	sst s0  }
0x9: {  	[smem:$0x3FAF] =	sst s1  }
0xa: {  	[smem:$0x3FB0] =	sst s2  }
0xb: {  	[smem:$0x3FB1] =	sst s3  }
0xc: {  	[smem:$0x3FB2] =	sst s4  }
0xd: {  	[smem:$0x3FB3] =	sst s5  }
0xe: {  	[smem:$0x3FB4] =	sst s6  }
0xf: {  	[smem:$0x3FB5] =	sst s7  }
0x10: {  	[smem:$0x3FB6] =	sst s8  }
0x11: {  	[smem:$0x3FB7] =	sst s9;
	s0 =	simm.s32 @!p0 $0x0  }
0x12: {  	s1 =	sld [smem:$0x3F9D];
	s0 =	simm.s32 @p0 $0x1  }
0x13: {  	[smem:$0x3FB8] =	sst s0;
	s0 =	simm.s32 @!p1 $0x0  }
0x14: {  	s2 =	sld [smem:$0x3F9C];
	s0 =	simm.s32 @p1 $0x1  }
0x15: {  	[smem:$0x3FB9] =	sst s0;
	s0 =	simm.s32 @!p2 $0x0  }
0x16: {  	s3 =	sld [smem:$0x3FDB];
	s0 =	simm.s32 @p2 $0x1  }
0x17: {  	s4 =	simm.s32 $0x1BF5;
	[smem:$0x3FBB] =	sst s0  }
0x18: {  	s0 =	sld [smem:$0x3F9E];
	_ =	swait.ge [sflag:s4], $0x0  }
0x19: {  	s7 =	sld [smem:$0x3F9F]  }
0x1a: {  	s8 =	sadd.s32 $0xFFFFE003, lr  }
0x1b: {  	s9 =	sadd.s32 $0xFFFFFEF7, lr;
	s5 =	simm.s32 $0xFFFFFFFF;
	p2 =	slt.u32 s8, $0xFFFFF086  }
0x1c: {  	p1 =	slt.u32 s9, $0xF7A;
	s5 =	simm.s32 @!p2 $0x0  }
0x1d: {  	s5 =	simm.s32 @p1 $0x1;
	p0 =	seq.s32 s7, s2  }
0x1e: {  	s7 =	smul.u32 @!p0 $0xF7A, s2;
	p2 =	seq.s32 @!p0 s5, $0x0  }
0x1f: {  	s9 =	smul.u32 $0xF7A, s1;
	s8 =	simm.s32 @!p0 $0x1BF5;
	p2 =	por !p2, p0  }
0x20: {  	[sflag:s8] =	ssyncset.s32 @!p0 $0xFFFFF086;
	s6 =	sadd.s32 @!p0 s3, s7;
	s7 =	simm.s32 @!p0 $0x108  }
0x21: {  	s3 =	sadd.s32 s3, s9;
	s6 =	sadd.s32 @!p0 $0x88, s6;
	s7 =	simm.s32 @p2 $0x1082  }
0x22: {  	[simem:s7], [sflag:s8] =	dma.local @!p0 [hbm:s6], $0xF7A  }
0x23: {  	s9 =	sor.u32 $0xD0000000, s2;
	s6 =	simm.s32 $0x108;
	_ =	swait.ge @!p0 [sflag:s8], $0x0  }
0x24: {  	s3 =	sadd.s32 $0x88, s3;
	s6 =	simm.s32 @!p1 $0x1082;
	[sflag:s4] =	ssyncset.s32 $0xFFFFF086  }
0x25: {  	[simem:s6], [sflag:s4] =	dma.local [hbm:s3], $0xF7A  }
0x26: {  	[smem:$0x3F9F] =	sst s1;
	(tag) =	ssettag s2;
	_ =	strace s9  }
0x27: {  	s1 =	sld [smem:$0x3FAF]  }
0x28: {  	s2 =	sld [smem:$0x3FB0]  }
0x29: {  	s4 =	sld [smem:$0x3FB2]  }
0x2a: {  	p0 =	seq.s32 s5, $0x0;
	s5 =	sld [smem:$0x3FB3]  }
0x2b: {  	s6 =	sld [smem:$0x3FB4]  }
0x2c: {  	s7 =	sld [smem:$0x3FB5]  }
0x2d: {  	s3 =	simm.s32 $0x108;
	s8 =	sld [smem:$0x3FB6]  }
0x2e: {  	s3 =	simm.s32 @!p0 $0x1082;
	s9 =	sld [smem:$0x3FB7]  }
0x2f: {  	lr =	sadd.s32 s0, s3;
	s0 =	sld [smem:$0x3FAE]  }
0x30: {  	s3 =	sld [smem:$0x3FB1]  }
0x31: {  	[smem:$0x3FBA] =	sst s10  }
0x32: {  	s10 =	sld [smem:$0x3FB8];
	_ =	sdelay $0x3  }
0x33: {  	p0 =	seq.s32 s10, $0x1;
	s10 =	sld [smem:$0x3FBA];
	_ =	sdelay $0x3  }
0x34: {  	[smem:$0x3FBA] =	sst s10  }
0x35: {  	s10 =	sld [smem:$0x3FB9];
	_ =	sdelay $0x3  }
0x36: {  	p1 =	seq.s32 s10, $0x1;
	s10 =	sld [smem:$0x3FBA];
	_ =	sdelay $0x3  }
0x37: {  	[smem:$0x3FBA] =	sst s10  }
0x38: {  	s10 =	sld [smem:$0x3FBB]  }
0x39: {  	_ = 	snop;
	(pc) =	sbr.ind lr, $3  }
0x3a: {  	_ = 	snop  }
0x3b: {  	_ = 	snop  }
0x3c: {  	p2 =	seq.s32 s10, $0x1;
	s10 =	sld [smem:$0x3FBA]  }
0x3d: {  	_ =	shalt  }
0x3e: {  	_ =	shalt  }
0x3f: {  	_ =	shalt  }
0x40: {  	_ =	shalt  }
0x41: {  	_ =	shalt  }
0x42: {  	_ =	shalt  }
0x43: {  	_ =	shalt  }
0x44: {  	_ =	shalt  }
0x45: {  	_ =	shalt  }
0x46: {  	_ =	shalt  }
0x47: {  	_ =	shalt  }
0x48: {  	_ =	shalt  }
0x49: {  	_ =	shalt  }
0x4a: {  	_ =	shalt  }
0x4b: {  	_ =	shalt  }
0x4c: {  	_ =	shalt  }
0x4d: {  	_ =	shalt  }
0x4e: {  	_ =	shalt  }
0x4f: {  	_ =	shalt  }
0x50: {  	_ =	shalt  }
0x51: {  	_ =	shalt  }
0x52: {  	_ =	shalt  }
0x53: {  	_ =	shalt  }
0x54: {  	_ =	shalt  }
0x55: {  	_ =	shalt  }
0x56: {  	_ =	shalt  }
0x57: {  	_ =	shalt  }
0x58: {  	_ =	shalt  }
0x59: {  	_ =	shalt  }
0x5a: {  	_ =	shalt  }
0x5b: {  	_ =	shalt  }
0x5c: {  	_ =	shalt  }
0x5d: {  	_ =	shalt  }
0x5e: {  	_ =	shalt  }
0x5f: {  	_ =	shalt  }
0x60: {  	_ =	shalt  }
0x61: {  	_ =	shalt  }
0x62: {  	_ =	shalt  }
0x63: {  	_ =	shalt  }
0x64: {  	_ =	shalt  }
0x65: {  	_ =	shalt  }
0x66: {  	_ =	shalt  }
0x67: {  	_ =	shalt  }
0x68: {  	_ =	shalt  }
0x69: {  	_ =	shalt  }
0x6a: {  	_ =	shalt  }
0x6b: {  	_ =	shalt  }
0x6c: {  	_ =	shalt  }
0x6d: {  	_ =	shalt  }
0x6e: {  	_ =	shalt  }
0x6f: {  	_ =	shalt  }
0x70: {  	_ =	shalt  }
0x71: {  	_ =	shalt  }
0x72: {  	_ =	shalt  }
0x73: {  	_ =	shalt  }
0x74: {  	_ =	shalt  }
0x75: {  	_ =	shalt  }
0x76: {  	_ =	shalt  }
0x77: {  	_ =	shalt  }
0x78: {  	_ =	shalt  }
0x79: {  	_ =	shalt  }
0x7a: {  	_ =	shalt  }
0x7b: {  	_ =	shalt  }
0x7c: {  	_ =	shalt  }
0x7d: {  	_ =	shalt  }
0x7e: {  	_ =	shalt  }
0x7f: {  	_ =	shalt  }
0x80: {  	_ =	shalt  }
0x81: {  	_ =	shalt  }
0x82: {  	_ =	shalt  }
0x83: {  	_ =	shalt  }
0x84: {  	_ =	shalt  }
0x85: {  	_ =	shalt  }
0x86: {  	_ =	shalt  }
0x87: {  	_ =	shalt  }
.Lfunc_end0:
.L_simem_size_0:
called_computation_lowered:
.L_overlay_start_0:
0x88: {  	s2 =	sld [smem:$0x3FD9]  }
0x89: {  	s3 =	sld [smem:$0x3FFE];
	_ =	sdelay $0x1  }
0x8a: {  	s1 =	srdreg.scid  }
0x8b: {  	s0 =	sand.u32 $0x1, s1  }
0x8c: {  	s18 =	sshll.u32 s0, $0xA;
	s2 =	sadd.s32 s3, s2  }
0x8d: {  	s2 =	sadd.s32 s2, s18  }
0x8e: {  	[smem:$0x3FC6] =	sst s2  }
0x8f: {  	_ = 	snop  }
0x90: {  	s2 =	sld [smem:$0x3FC9]  }
0x91: {  	s19 =	sld [smem:$0x3FC8]  }
0x92: {  	s4 =	sld [smem:$0x3FD0];
	(tm) =	ssettm $0x1  }
0x93: {  	s5 =	sld [smem:$0x3FFB];
	_ =	sdelay $0x3  }
0x94: {  	_ =	strace s5  }
0x95: {  	s5 =	sld [smem:$0x3FFC];
	_ =	sdelay $0x3  }
0x96: {  	_ =	strace s5  }
0x97: {  	s5 =	sld [smem:$0x3FFD];
	_ =	sdelay $0x3  }
0x98: {  	_ =	strace s5  }
0x99: {  	_ =	strace $0x8FFFFFFF  }
0x9a: {  	s20 =	sld [smem:$0x3FDB];
	_ =	sdelay $0x1  }
0x9b: {  	s6 =	simm.s32 $_scs_section_size  }
0x9c: {  	s7 =	simm.s32 $_size__tile_overlayer_lowered;
	s8 =	simm.s32 $_tile_overlayer_lowered  }
0x9d: {  	s23 =	simm.s32 $0x1BFF;
	s22 =	sshll.u32 s8, $0x1;
	s5 =	sadd.s32 s6, s20  }
0x9e: {  	s9 =	simm.s32 $0x0;
	s21 =	sshll.u32 s7, $0x1;
	s7 =	sadd.s32 s22, s5  }
0x9f: {  	[timem:s9], [sflag:s23] =	dma.local [hbm:s7], s21  }
0xa0: {  	_ =	swait.ge [sflag:s23], s21  }
0xa1: {  	s6 =	ssub.s32 $0x0, s21;
	[sflag:s23] =	ssyncset.done $0x0  }
0xa2: {  	[sflag:s23] =	ssyncadd.s32 s6;
	_ =	sdelay $0x1  }
0xa3: {  	s24 =	simm.s32 $0x1B8B  }
0xa4: {  	_ =	swait.ge [sflag:s24], $0x1  }
0xa5: {  	[sflag:s24] =	ssyncset.done $0x0  }
0xa6: {  	s25 =	simm.s32 $0x1B8E;
	[sflag:s24] =	ssyncadd.s32 $0xFFFFFFFF  }
0xa7: {  	s26 =	simm.s32 $execute0_lowered;
	[smem:$0x3FD2] =	sst s25  }
0xa8: {  	s6 =	sshll.u32 s26, $0x1;
	_ =	strace $0x80000046;
	[dreg:$0x1] =	wrdreg $0xFFFFFFFF  }
0xa9: {  	s28 =	simm.s32 $_size_execute0_lowered;
	s5 =	sadd.s32 s5, s6;
	[dreg:$0x0] =	wrdreg $0x0  }
0xaa: {  	s6 =	sshll.u32 s28, $0x1;
	[dreg:$0x2] =	wrdreg s5  }
0xab: {  	[dreg:$0x3] =	wrdreg s6  }
0xac: {  	[dreg:$0x4] =	wrdreg $0xC0  }
0xad: {  	_ =	task [dreg:s9], $0x5FFFF  }
0xae: {  	[dreg:$0x1] =	wrdreg $0xFFFFFFFF  }
0xaf: {  	[dreg:$0x0] =	wrdreg $0x60  }
0xb0: {  	[dreg:$0x2] =	wrdreg s2  }
0xb1: {  	[dreg:$0x3] =	wrdreg s19  }
0xb2: {  	[dreg:$0x4] =	wrdreg s4  }
0xb3: {  	[dreg:$0x5] =	wrdreg $0x9  }
0xb4: {  	_ =	task.clear_ibuf [dreg:s9], $0x6FFFF;
	_ =	strace $0x90000046  }
0xb5: {  	s29 =	simm.s32 $0x9;
	_ =	strace $0x80000048  }
0xb6: {  	_ =	swait.ge [sflag:s29], $0x1  }
0xb7: {  	[sflag:s29] =	ssyncadd.s32 $0xFFFFFFFF  }
0xb8: {  	_ =	strace $0x90000048  }
0xb9: {  	_ =	sfence  }
0xba: {  	s30 =	sld [smem:$0x0];
	_ =	sdelay $0x2  }
0xbb: {  	s31 =	sshll.u32 s1, $0xD;
	s1 =	sshrl.u32 s1, $0x2  }
0xbc: {  	s3 =	sand.u32 $0x4000, s31;
	s1 =	sadd.s32 s1, s30  }
0xbd: {  	s0 =	sor.u32 s3, s0;
	s1 =	sshll.u32 s1, $0x11  }
0xbe: {  	s0 =	sor.u32 s1, s0  }
0xbf: {  	s0 =	sadd.s32 $0x8F2B, s0  }
0xc0: {  	[sflag:s0] =	ssyncadd.remote.s32 $0x1  }
0xc1: {  	_ =	sfence.sel $0xFFFF  }
0xc2: {  	[dreg:$0x0] =	wrdreg $0xFFFFFFFF;
	(pc) =	sbr.abs _section_cstart, $3  }
0xc3: {  	[dreg:$0x1] =	wrdreg $0xFFFFFFFF  }
0xc4: {  	_ =	task.clear_ibuf [dreg:s9], $0x2FFFF;
	_ =	strace $0x9FFFFFFF  }
0xc5: {  	(tm) =	ssettm $0x7FFFFFFF  }
tec
execute0_lowered:
.L_overlay_start_1:
0x0: {  	(tag) =	ssettag $0x1  }
0x1: {  	s7 =	rddreg [dreg:$0x0]  }
0x2: {  	s1 =	srdreg.scid;
	s2 =	rddreg [dreg:$0x1]  }
0x3: {  	s0 =	stileid.u32;
	s3 =	rddreg [dreg:$0x2]  }
0x4: {  	s5 =	simm.s32 $0x0;
	s6 =	sand.u32 $0x1, s1;
	s29 =	sshll.u32 s0, $0x1  }
0x5: {  	s13 =	simm.s32 $0x2000;
	s14 =	simm.s32 $0x1A700;
	s1 =	sor.u32 s6, s29  }
0x6: {  	[smem:$0x7FF] =	sst s5;
	s8 =	ssub.s32 $0x2, s6;
	s4 =	smul.u32 $0x2E, s1  }
0x7: {  	s15 =	simm.s32 $0x0;
	s1 =	rddreg [dreg:$0x3];
	s9 =	sshrl.u32 s8, $0x1  }
0x8: {  	_ =	strace $0x80000047;
	s9 =	ssub.s32 s8, s9;
	s6 =	sshrl.u32 s4, $0x6  }
0x9: {  	s31 =	sshll.u32 s4, $0x3;
	s11 =	sshrl.u32 s4, $0x2;
	s10 =	smin.u32 s6, $0x15  }
0xa: {  	s9 =	smax.u32 s9, $0x1;
	s11 =	sand.u32 $0x70, s11;
	s30 =	sadd.s32 $0x1, s10  }
0xb: {  	s10 =	sand.u32 $0x3000, s31;
	s12 =	sshll.u32 s30, $0x4;
	s8 =	sshll.u32 s30, $0x9  }
0xc: {  	s11 =	sadd.s32 s7, s11;
	s12 =	sand.u32 $0x70, s12;
	s8 =	sand.u32 $0x7000, s8  }
0xd: {  	s12 =	sadd.s32 s7, s12;
	s7 =	sadd.s32 s10, s11;
	s10 =	simm.s32 $0x1  }
0xe: {  	v0 =	vlaneseq.u32;
	s11 =	simm.s32 $0x80;
	s8 =	sadd.s32 s8, s12;
	s12 =	simm.s32 $0x400  }
.LBB2_1:
0xf: {  	s16 =	simm.s32 $0x80  }
0x10: {  	s19 =	sadd.s32 $0x0, s7;
	s17 =	simm.s32 $0x100;
	s18 =	simm.s32 $0x0  }
.LBB2_2:
0x11: {  	[tilespmem:s18], [sflag:$0x1] =	stream.linear.gather [hbm4b:s19+s5], $0x80, $0x38;
	[tilespmem:$0x1B700] =	vst v63  }
0x12: {  	s19 =	smov.u32 s16;
	s18 =	smov.u32 s17;
	p0 =	sne.s32 s16, $0xF80  }
.Ltmp0:
0x13: {  	s16 =	sadd.s32 $0x80, s16;
	(pc) =	sbr.rel @p0 .LBB2_2-.Ltmp0, $2  }
0x14: {  	_ =	sdelay $0x2  }
0x15: {  	s17 =	sadd.s32 $0x100, s17;
	s19 =	sadd.s32 s19, s7  }
0x16: {  	[tilespmem:s18], [sflag:$0x1] =	stream.linear.gather [hbm4b:s19+s5], $0x80, $0x38;
	[tilespmem:$0x1B700] =	vst v63  }
0x17: {  	_ =	swait.ge [sflag:s10], $0x1000  }
0x18: {  	s16 =	simm.s32 $0x80;
	s17 =	simm.s32 $0x80;
	[sflag:s10] =	ssyncset.done $0x0  }
0x19: {  	s19 =	sadd.s32 $0x0, s8;
	s18 =	simm.s32 $0x180;
	[sflag:s10] =	ssyncadd.s32 $0xFFFFF000  }
.LBB2_4:
0x1a: {  	[tilespmem:s16], [sflag:$0x1] =	stream.linear.gather [hbm4b:s19+s5], $0x80, $0x38;
	[tilespmem:$0x1B700] =	vst v63  }
0x1b: {  	s19 =	smov.u32 s17;
	s16 =	smov.u32 s18;
	p0 =	sne.s32 s17, $0xF80  }
.Ltmp1:
0x1c: {  	s17 =	sadd.s32 $0x80, s17;
	(pc) =	sbr.rel @p0 .LBB2_4-.Ltmp1, $2  }
0x1d: {  	_ =	sdelay $0x2  }
0x1e: {  	s18 =	sadd.s32 $0x100, s18;
	s19 =	sadd.s32 s19, s8  }
0x1f: {  	[tilespmem:s16], [sflag:$0x1] =	stream.linear.gather [hbm4b:s19+s5], $0x80, $0x38;
	[tilespmem:$0x1B700] =	vst v63  }
0x20: {  	_ =	swait.ge [sflag:s10], $0x1000  }
0x21: {  	[sflag:s10] =	ssyncset.done $0x0  }
0x22: {  	s16 =	simm.s32 $0x0;
	s17 =	simm.s32 $0x0;
	[sflag:s10] =	ssyncadd.s32 $0xFFFFF000  }
.LBB2_6:
0x23: {  	s18 =	sadd.s32 s4, s17  }
0x24: {  	s19 =	sshrl.u32 s18, $0x6;
	s21 =	sand.u32 $0x38, s18  }
0x25: {  	s20 =	ssub.s32 s19, s6;
	s19 =	smul.u32 $0x61C000, s19;
	s28 =	sshrl.u32 s21, $0x3  }
0x26: {  	v3 =	vmov s16;
	v1 =	vmov s20;
	s20 =	smul.u32 $0xC3800, s28  }
0x27: {  	v4 =	vor.u32 s16, v0;
	s29 =	sshll.u32 s18, $0x7;
	v3 =	vshll.u32 v3, $0x1  }
0x28: {  	v4 =	vand.u32 $0x6F, v4;
	s30 =	sand.u32 $0x380, s29;
	v2 =	vshll.u32 v1, $0xC;
	v1 =	vshll.u32 v1, $0x7;
	s19 =	sadd.s32 s19, s20  }
0x29: {  	v3 =	vand.u32 $0x1F00, v3;
	v2 =	vand.u32 $0xFFFFE000, v2;
	v1 =	vand.u32 $0x80, v1;
	s19 =	sor.u32 s30, s19  }
0x2a: {  	v1 =	vor.u32 v1, v2;
	v2 =	vor.u32 v3, v4;
	s19 =	sshrl.u32 s19, $0x3  }
0x2b: {  	v2 =	vor.u32 v1, v2;
	s19 =	sadd.s32 s2, s19  }
0x2c: {  	[tilespmem:s13], [sflag:$0x1] =	stream.strided.gather [hbm4b:s19+s11], $0x18700, s12, s11, $0x38;
	[tilespmem:$0x1B700] =	vst v63  }
0x2d: {  	_ =	swait.ge [sflag:s10], $0x18700  }
0x2e: {  	[sflag:s10] =	ssyncset.done $0x0  }
0x2f: {  	[sflag:s10] =	ssyncadd.s32 $0xFFFE7900  }
0x30: {  	v2 =	vld.idx.msk [tilespmem:v2+s5+$0x0], $0xffff;
	_ =	sdelay $0x3  }
0x31: {  	s31 =	simm.s32 $0x10  }
0x32: {  	v3 =	vmov s31  }
0x33: {  	v4 =	vor.u32 s31, v0;
	v3 =	vshll.u32 v3, $0x1  }
0x34: {  	v4 =	vand.u32 $0x7F, v4;
	v3 =	vand.u32 $0x1F00, v3  }
0x35: {  	v3 =	vor.u32 v3, v4;
	v2 =	vld.idx.msk [tilespmem:v2+s13+$0x0], $0xffff  }
0x36: {  	v3 =	vor.u32 v1, v3;
	_ =	sdelay $0x2  }
0x37: {  	s19 =	simm.s32 $0x1A710  }
0x38: {  	[tilespmem:s19+$0xFFFFFFF0] =	vst v2  }
0x39: {  	v2 =	vld.idx.msk [tilespmem:v3+s5+$0x0], $0xffff;
	_ =	sdelay $0x4  }
0x3a: {  	s20 =	simm.s32 $0x20  }
0x3b: {  	s21 =	simm.s32 $0x40;
	v3 =	vmov s20  }
.LBB2_7:
0x3c: {  	p0 =	sne.s32 s21, $0xFE0;
	v4 =	vor.u32 s20, v0;
	v3 =	vshll.u32 v3, $0x1  }
0x3d: {  	v4 =	vand.u32 $0x6F, v4;
	v3 =	vand.u32 $0x1F00, v3;
	v2 =	vld.idx.msk [tilespmem:v2+s13+$0x0], $0xffff  }
0x3e: {  	v3 =	vor.u32 v3, v4  }
0x3f: {  	v3 =	vor.u32 v1, v3;
	_ =	sdelay $0x3  }
0x40: {  	[tilespmem:s19+$0x0] =	vst v2  }
0x41: {  	v2 =	vld.idx.msk [tilespmem:v3+s5+$0x0], $0xffff;
	_ =	sdelay $0x4  }
0x42: {  	s22 =	sadd.s32 $0x10, s20;
	s20 =	smov.u32 s21  }
0x43: {  	v3 =	vmov s22  }
0x44: {  	v4 =	vor.u32 s22, v0;
	v3 =	vshll.u32 v3, $0x1  }
0x45: {  	v4 =	vand.u32 $0x7F, v4;
	v3 =	vand.u32 $0x1F00, v3;
	v2 =	vld.idx.msk [tilespmem:v2+s13+$0x0], $0xffff  }
0x46: {  	v3 =	vor.u32 v3, v4  }
0x47: {  	v3 =	vor.u32 v1, v3;
	_ =	sdelay $0x2  }
0x48: {  	s19 =	sadd.s32 $0x20, s19  }
0x49: {  	[tilespmem:s19+$0xFFFFFFF0] =	vst v2  }
0x4a: {  	v2 =	vld.idx.msk [tilespmem:v3+s5+$0x0], $0xffff;
	_ =	sdelay $0x1  }
.Ltmp2:
0x4b: {  	(pc) =	sbr.rel @p0 .LBB2_7-.Ltmp2, $2  }
0x4c: {  	_ =	sdelay $0x2  }
0x4d: {  	s21 =	sadd.s32 $0x20, s21;
	v3 =	vmov s20  }
0x4e: {  	_ =	sdelay $0x1  }
0x4f: {  	v4 =	vor.u32 s20, v0;
	v3 =	vshll.u32 v3, $0x1  }
0x50: {  	v4 =	vand.u32 $0x6F, v4;
	v3 =	vand.u32 $0x1F00, v3  }
0x51: {  	v2 =	vld.idx.msk [tilespmem:v2+s13+$0x0], $0xffff;
	v3 =	vor.u32 v3, v4  }
0x52: {  	v3 =	vor.u32 v1, v3;
	_ =	sdelay $0x3  }
0x53: {  	[tilespmem:s19+$0x0] =	vst v2  }
0x54: {  	v2 =	vld.idx.msk [tilespmem:v3+s5+$0x0], $0xffff;
	_ =	sdelay $0x3  }
0x55: {  	s28 =	sadd.s32 $0x10, s20  }
0x56: {  	v3 =	vmov s28  }
0x57: {  	v63 =	vor.u32 s28, v0;
	v3 =	vshll.u32 v3, $0x1  }
0x58: {  	v4 =	vand.u32 $0x7F, v63;
	v3 =	vand.u32 $0x1F00, v3  }
0x59: {  	v3 =	vor.u32 v3, v4;
	v2 =	vld.idx.msk [tilespmem:v2+s13+$0x0], $0xffff  }
0x5a: {  	v1 =	vor.u32 v1, v3;
	_ =	sdelay $0x2  }
0x5b: {  	s29 =	sadd.s32 $0x20, s19  }
0x5c: {  	[tilespmem:s29+$0xFFFFFFF0] =	vst v2  }
0x5d: {  	v1 =	vld.idx.msk [tilespmem:v1+s5+$0x0], $0xffff;
	_ =	sdelay $0x7  }
0x5e: {  	v1 =	vld.idx.msk [tilespmem:v1+s13+$0x0], $0xffff;
	_ =	sdelay $0x1  }
0x5f: {  	s30 =	sshll.u32 s18, $0x4  }
0x60: {  	s31 =	sshll.u32 s18, $0x9;
	s17 =	sadd.s32 $0x1, s17;
	s20 =	sand.u32 $0x70, s30  }
0x61: {  	s18 =	sand.u32 $0xFFFF000, s31;
	p0 =	sne.s32 s17, $0x2E;
	s20 =	sadd.s32 s3, s20  }
.Ltmp3:
0x62: {  	s18 =	sadd.s32 s18, s20;
	[tilespmem:s29+$0x0] =	vst v1;
	(pc) =	sbr.rel @p0 .LBB2_6-.Ltmp3, $4  }
0x63: {  	[hbm4b:s18+s11] =	stream.strided.scatter [tilespmem:s14], [sflag:$0x1], $0x1000, s12, s11, $0x38;
	[tilespmem:$0x1B700] =	vst v63  }
0x64: {  	_ =	swait.ge [sflag:s10], $0x1000  }
0x65: {  	[sflag:s10] =	ssyncset.done $0x0  }
0x66: {  	[sflag:s10] =	ssyncadd.s32 $0xFFFFF000  }
0x67: {  	s15 =	sadd.s32 $0x1, s15  }
0x68: {  	p0 =	sne.s32 s15, s9  }
.Ltmp4:
0x69: {  	_ = 	snop;
	(pc) =	sbr.rel @p0 .LBB2_1-.Ltmp4, $1  }
0x6a: {  	_ =	sdelay $0x3  }
0x6b: {  	_ =	sfence.sel $0x180000  }
0x6c: {  	[bflag:$0x0] =	sbarrier.arrive $0xFFFF  }
0x6d: {  	p0 =	sne.s32 s0, $0x0;
	_ =	strace $0x90000047  }
0x6e: {  	s0 =	sadd.s32 @!p0 $0x100000, s1;
	[bflag:$0x2] =	sbarrier.arrive $0xFFFF  }
0x6f: {  	[sflag:s0] =	ssyncadd.tile.s32 @!p0 $0x1;
	_ =	shalt  }
.Lfunc_end2:
_tile_overlayer_lowered:
.L_overlay_start_2:
0x70: {  	(tag) =	ssettag $0x2  }
0x71: {  	s0 =	rddreg [dreg:$0x0];
	s2 =	stileid.u32  }
0x72: {  	s1 =	rddreg [dreg:$0x1];
	p0 =	sne.s32 s2, $0x0  }
0x73: {  	s3 =	rddreg [dreg:$0x2];
	[bflag:$0x3] =	sbarrier.arrive $0xFFFF;
	s2 =	simm.s32 @!p0 $0x1C01  }
0x74: {  	[timem:s3], [sflag:s2] =	dma.local @!p0 [hbm:s0], s1  }
0x75: {  	s0 =	simm.s32 @!p0 $0x1  }
0x76: {  	_ =	swait.ge @!p0 [sflag:s0], s1  }
0x77: {  	s1 =	ssub.s32 @!p0 $0x0, s1;
	[sflag:s0] =	ssyncset.done @!p0 $0x0  }
0x78: {  	[sflag:s0] =	ssyncadd.s32 @!p0 s1  }
0x79: {  	[bflag:$0x3] =	sbarrier.arrive $0xFFFF  }
0x7a: {  	_ =	shalt  }

</sc_bundles>
